<compile_context>
chip_gen: v7x
topology: tpu7x:2x2x1
jax: 0.10.2.dev20260603
libtpu: 0.0.44.dev20260713+nightly
codegen_flags: <defaults>
</compile_context>

<pallas_src>
import jax
import jax.numpy as jnp
from jax import lax
from jax.experimental import pallas as pl
from jax.experimental.pallas import tpu as pltpu
from jax.experimental.pallas import tpu_sc as plsc

_NC = 2
_CHUNK_ROWS = 256
_NBUF = 3


def _sc_copy_body(table_hbm, out_hbm, buf0, buf1, buf2, isem, osem):
    rows = out_hbm.shape[0]
    rows_per_core = rows // _NC
    n_chunks = rows_per_core // _CHUNK_ROWS
    cid = lax.axis_index("c")
    sid = lax.axis_index("s")
    base = cid * rows_per_core
    bufs = (buf0, buf1, buf2)

    def in_copy(c):
        return pltpu.make_async_copy(
            table_hbm.at[pl.ds(base + c * _CHUNK_ROWS, _CHUNK_ROWS), :],
            bufs[c % _NBUF], isem.at[c % _NBUF])

    def out_copy(c):
        return pltpu.make_async_copy(
            bufs[c % _NBUF],
            out_hbm.at[pl.ds(base + c * _CHUNK_ROWS, _CHUNK_ROWS), :],
            osem.at[c % _NBUF])

    @pl.when(sid == 0)
    def _():
        in_copy(0).start()
        in_copy(1).start()
        for c in range(n_chunks):
            in_copy(c).wait()
            out_copy(c).start()
            if c + 2 < n_chunks:
                if c >= 1:
                    out_copy(c - 1).wait()
                in_copy(c + 2).start()
        for c in range(max(0, n_chunks - 3), n_chunks):
            out_copy(c).wait()


def kernel(x, table):
    T = x.shape[1]
    _, d = table.shape
    mesh = plsc.VectorSubcoreMesh(core_axis_name="c", subcore_axis_name="s")
    f = pl.kernel(
        _sc_copy_body,
        mesh=mesh,
        out_type=jax.ShapeDtypeStruct((T, d), table.dtype),
        scratch_types=[
            pltpu.VMEM_SHARED((_CHUNK_ROWS, d), table.dtype),
            pltpu.VMEM_SHARED((_CHUNK_ROWS, d), table.dtype),
            pltpu.VMEM_SHARED((_CHUNK_ROWS, d), table.dtype),
            pltpu.SemaphoreType.DMA((_NBUF,)),
            pltpu.SemaphoreType.DMA((_NBUF,)),
        ],
    )
    return f(table)

# --- scband reference (transcript-rebuilt; emitter-appended) ---
"""Pipeline reference for scband-learned-positional-encoding-70712341561684 (READ-ONLY COPY).

The authoritative reference and input builder live on the scoring server;
editing this copy changes nothing except your own understanding.
"""

import jax, jax.numpy as jnp
import numpy as np

BLOCK_SIZE = 4096
EMBED_DIM = 2048
BATCH = 4
SEQ = 4096

def setup_inputs(seed: int = 0) -> dict:
    key = jax.random.key(seed)
    k1, k2 = jax.random.split(key)
    x = jax.random.randint(k1, (BATCH, SEQ), 0, BLOCK_SIZE, dtype=jnp.int64 if jax.config.jax_enable_x64 else jnp.int32)
    table = jax.random.normal(k2, (BLOCK_SIZE, EMBED_DIM), dtype=jnp.float32)
    return {"x": x, "table": table}

def reference(x, table):
    # LearnedPositionalEncoding.forward: embed positions 0..T-1
    B, T = x.shape
    pos = jnp.arange(T)
    return jnp.take(table, pos, axis=0)

if __name__ == "__main__":
    import jax
    _d = setup_inputs()
    print(jax.jit(kernel)(*tuple(_d.values())))

</pallas_src>

<mosaic_0001>
#map = affine_map<(d0, d1) -> (0, 0)>
module attributes {stable_mosaic.version = 14 : i64} {
  func.func @_sc_copy_body(%arg0: i32, %arg1: i32, %arg2: memref<4096x2048xf32, #tpu.memory_space<hbm>>, %arg3: memref<4096x2048xf32, #tpu.memory_space<hbm>>, %arg4: memref<256x2048xf32, #tpu.memory_space<vmem_shared>>, %arg5: memref<256x2048xf32, #tpu.memory_space<vmem_shared>>, %arg6: memref<256x2048xf32, #tpu.memory_space<vmem_shared>>, %arg7: memref<3x!tpu.dma_semaphore, #tpu.memory_space<semaphore_mem>>, %arg8: memref<3x!tpu.dma_semaphore, #tpu.memory_space<semaphore_mem>>) attributes {dimension_semantics = [#tpu.dimension_semantics<core_parallel>, #tpu.dimension_semantics<subcore_parallel>], iteration_bounds = array<i64: 2, 16>, scalar_prefetch = 0 : i64, scratch_operands = 5 : i64, tpu.core_type = #tpu.core_type<sc_vector_subcore>, window_params = [{transform_indices = #map}, {transform_indices = #map}]} {
    %mul3A = arith.constant 2048 : i32
    %mul3A_0 = arith.muli %arg0, %mul3A : i32
    %eq3A = arith.constant 0 : i32
    %eq3A_1 = arith.cmpi eq, %arg1, %eq3A : i32
    %convert_element_type3A = arith.extui %eq3A_1 : i1 to i32
    %cond3A = arith.constant 0 : i32
    %cond3A_2 = arith.cmpi ne, %convert_element_type3A, %cond3A : i32
    scf.if %cond3A_2 {
      %add3A = arith.constant 0 : i32
      %add3A_3 = arith.addi %mul3A_0, %add3A : i32
      %dma_start3A = arith.constant 0 : i32
      %dma_start3A_4 = tpu.memref_slice %arg7[%dma_start3A] : memref<3x!tpu.dma_semaphore, #tpu.memory_space<semaphore_mem>> -> memref<1x!tpu.dma_semaphore, #tpu.memory_space<semaphore_mem>>
      %dma_start3A_5 = tpu.memref_squeeze %dma_start3A_4 : memref<1x!tpu.dma_semaphore, #tpu.memory_space<semaphore_mem>> -> memref<!tpu.dma_semaphore, #tpu.memory_space<semaphore_mem>>
      %dma_start3A_6 = arith.constant 0 : i32
      %dma_start3A_7 = tpu.memref_slice %arg2[%add3A_3, %dma_start3A_6] : memref<4096x2048xf32, #tpu.memory_space<hbm>> -> memref<256x2048xf32, #tpu.memory_space<hbm>>
      tpu.enqueue_dma source(%dma_start3A_7 : memref<256x2048xf32, #tpu.memory_space<hbm>>) target(%arg4 : memref<256x2048xf32, #tpu.memory_space<vmem_shared>>) target_semaphore(%dma_start3A_5 : memref<!tpu.dma_semaphore, #tpu.memory_space<semaphore_mem>>)
      %add3A_8 = arith.constant 256 : i32
      %add3A_9 = arith.addi %mul3A_0, %add3A_8 : i32
      %dma_start3A_10 = arith.constant 1 : i32
      %dma_start3A_11 = tpu.memref_slice %arg7[%dma_start3A_10] : memref<3x!tpu.dma_semaphore, #tpu.memory_space<semaphore_mem>> -> memref<1x!tpu.dma_semaphore, #tpu.memory_space<semaphore_mem>>
      %dma_start3A_12 = tpu.memref_squeeze %dma_start3A_11 : memref<1x!tpu.dma_semaphore, #tpu.memory_space<semaphore_mem>> -> memref<!tpu.dma_semaphore, #tpu.memory_space<semaphore_mem>>
      %dma_start3A_13 = arith.constant 0 : i32
      %dma_start3A_14 = tpu.memref_slice %arg2[%add3A_9, %dma_start3A_13] : memref<4096x2048xf32, #tpu.memory_space<hbm>> -> memref<256x2048xf32, #tpu.memory_space<hbm>>
      tpu.enqueue_dma source(%dma_start3A_14 : memref<256x2048xf32, #tpu.memory_space<hbm>>) target(%arg5 : memref<256x2048xf32, #tpu.memory_space<vmem_shared>>) target_semaphore(%dma_start3A_12 : memref<!tpu.dma_semaphore, #tpu.memory_space<semaphore_mem>>)
      %add3A_15 = arith.constant 0 : i32
      %add3A_16 = arith.addi %mul3A_0, %add3A_15 : i32
      %dma_wait3A = arith.constant 0 : i32
      %dma_wait3A_17 = tpu.memref_slice %arg7[%dma_wait3A] : memref<3x!tpu.dma_semaphore, #tpu.memory_space<semaphore_mem>> -> memref<1x!tpu.dma_semaphore, #tpu.memory_space<semaphore_mem>>
      %dma_wait3A_18 = tpu.memref_squeeze %dma_wait3A_17 : memref<1x!tpu.dma_semaphore, #tpu.memory_space<semaphore_mem>> -> memref<!tpu.dma_semaphore, #tpu.memory_space<semaphore_mem>>
      %dma_wait3A_19 = arith.constant 0 : i32
      %dma_wait3A_20 = tpu.memref_slice %arg2[%add3A_16, %dma_wait3A_19] : memref<4096x2048xf32, #tpu.memory_space<hbm>> -> memref<256x2048xf32, #tpu.memory_space<hbm>>
      tpu.wait_dma2 semaphore(%dma_wait3A_18 : memref<!tpu.dma_semaphore, #tpu.memory_space<semaphore_mem>>) src(%dma_wait3A_20 : memref<256x2048xf32, #tpu.memory_space<hbm>>) dst(%arg4 : memref<256x2048xf32, #tpu.memory_space<vmem_shared>>)
      %add3A_21 = arith.constant 0 : i32
      %add3A_22 = arith.addi %mul3A_0, %add3A_21 : i32
      %dma_start3A_23 = arith.constant 0 : i32
      %dma_start3A_24 = tpu.memref_slice %arg8[%dma_start3A_23] : memref<3x!tpu.dma_semaphore, #tpu.memory_space<semaphore_mem>> -> memref<1x!tpu.dma_semaphore, #tpu.memory_space<semaphore_mem>>
      %dma_start3A_25 = tpu.memref_squeeze %dma_start3A_24 : memref<1x!tpu.dma_semaphore, #tpu.memory_space<semaphore_mem>> -> memref<!tpu.dma_semaphore, #tpu.memory_space<semaphore_mem>>
      %dma_start3A_26 = arith.constant 0 : i32
      %dma_start3A_27 = tpu.memref_slice %arg3[%add3A_22, %dma_start3A_26] : memref<4096x2048xf32, #tpu.memory_space<hbm>> -> memref<256x2048xf32, #tpu.memory_space<hbm>>
      tpu.enqueue_dma source(%arg4 : memref<256x2048xf32, #tpu.memory_space<vmem_shared>>) target(%dma_start3A_27 : memref<256x2048xf32, #tpu.memory_space<hbm>>) target_semaphore(%dma_start3A_25 : memref<!tpu.dma_semaphore, #tpu.memory_space<semaphore_mem>>)
      %add3A_28 = arith.constant 512 : i32
      %add3A_29 = arith.addi %mul3A_0, %add3A_28 : i32
      %dma_start3A_30 = arith.constant 2 : i32
      %dma_start3A_31 = tpu.memref_slice %arg7[%dma_start3A_30] : memref<3x!tpu.dma_semaphore, #tpu.memory_space<semaphore_mem>> -> memref<1x!tpu.dma_semaphore, #tpu.memory_space<semaphore_mem>>
      %dma_start3A_32 = tpu.memref_squeeze %dma_start3A_31 : memref<1x!tpu.dma_semaphore, #tpu.memory_space<semaphore_mem>> -> memref<!tpu.dma_semaphore, #tpu.memory_space<semaphore_mem>>
      %dma_start3A_33 = arith.constant 0 : i32
      %dma_start3A_34 = tpu.memref_slice %arg2[%add3A_29, %dma_start3A_33] : memref<4096x2048xf32, #tpu.memory_space<hbm>> -> memref<256x2048xf32, #tpu.memory_space<hbm>>
      tpu.enqueue_dma source(%dma_start3A_34 : memref<256x2048xf32, #tpu.memory_space<hbm>>) target(%arg6 : memref<256x2048xf32, #tpu.memory_space<vmem_shared>>) target_semaphore(%dma_start3A_32 : memref<!tpu.dma_semaphore, #tpu.memory_space<semaphore_mem>>)
      %add3A_35 = arith.constant 256 : i32
      %add3A_36 = arith.addi %mul3A_0, %add3A_35 : i32
      %dma_wait3A_37 = arith.constant 1 : i32
      %dma_wait3A_38 = tpu.memref_slice %arg7[%dma_wait3A_37] : memref<3x!tpu.dma_semaphore, #tpu.memory_space<semaphore_mem>> -> memref<1x!tpu.dma_semaphore, #tpu.memory_space<semaphore_mem>>
      %dma_wait3A_39 = tpu.memref_squeeze %dma_wait3A_38 : memref<1x!tpu.dma_semaphore, #tpu.memory_space<semaphore_mem>> -> memref<!tpu.dma_semaphore, #tpu.memory_space<semaphore_mem>>
      %dma_wait3A_40 = arith.constant 0 : i32
      %dma_wait3A_41 = tpu.memref_slice %arg2[%add3A_36, %dma_wait3A_40] : memref<4096x2048xf32, #tpu.memory_space<hbm>> -> memref<256x2048xf32, #tpu.memory_space<hbm>>
      tpu.wait_dma2 semaphore(%dma_wait3A_39 : memref<!tpu.dma_semaphore, #tpu.memory_space<semaphore_mem>>) src(%dma_wait3A_41 : memref<256x2048xf32, #tpu.memory_space<hbm>>) dst(%arg5 : memref<256x2048xf32, #tpu.memory_space<vmem_shared>>)
      %add3A_42 = arith.constant 256 : i32
      %add3A_43 = arith.addi %mul3A_0, %add3A_42 : i32
      %dma_start3A_44 = arith.constant 1 : i32
      %dma_start3A_45 = tpu.memref_slice %arg8[%dma_start3A_44] : memref<3x!tpu.dma_semaphore, #tpu.memory_space<semaphore_mem>> -> memref<1x!tpu.dma_semaphore, #tpu.memory_space<semaphore_mem>>
      %dma_start3A_46 = tpu.memref_squeeze %dma_start3A_45 : memref<1x!tpu.dma_semaphore, #tpu.memory_space<semaphore_mem>> -> memref<!tpu.dma_semaphore, #tpu.memory_space<semaphore_mem>>
      %dma_start3A_47 = arith.constant 0 : i32
      %dma_start3A_48 = tpu.memref_slice %arg3[%add3A_43, %dma_start3A_47] : memref<4096x2048xf32, #tpu.memory_space<hbm>> -> memref<256x2048xf32, #tpu.memory_space<hbm>>
      tpu.enqueue_dma source(%arg5 : memref<256x2048xf32, #tpu.memory_space<vmem_shared>>) target(%dma_start3A_48 : memref<256x2048xf32, #tpu.memory_space<hbm>>) target_semaphore(%dma_start3A_46 : memref<!tpu.dma_semaphore, #tpu.memory_space<semaphore_mem>>)
      %add3A_49 = arith.constant 0 : i32
      %add3A_50 = arith.addi %mul3A_0, %add3A_49 : i32
      %dma_wait3A_51 = arith.constant 0 : i32
      %dma_wait3A_52 = tpu.memref_slice %arg8[%dma_wait3A_51] : memref<3x!tpu.dma_semaphore, #tpu.memory_space<semaphore_mem>> -> memref<1x!tpu.dma_semaphore, #tpu.memory_space<semaphore_mem>>
      %dma_wait3A_53 = tpu.memref_squeeze %dma_wait3A_52 : memref<1x!tpu.dma_semaphore, #tpu.memory_space<semaphore_mem>> -> memref<!tpu.dma_semaphore, #tpu.memory_space<semaphore_mem>>
      %dma_wait3A_54 = arith.constant 0 : i32
      %dma_wait3A_55 = tpu.memref_slice %arg3[%add3A_50, %dma_wait3A_54] : memref<4096x2048xf32, #tpu.memory_space<hbm>> -> memref<256x2048xf32, #tpu.memory_space<hbm>>
      tpu.wait_dma2 semaphore(%dma_wait3A_53 : memref<!tpu.dma_semaphore, #tpu.memory_space<semaphore_mem>>) src(%arg4 : memref<256x2048xf32, #tpu.memory_space<vmem_shared>>) dst(%dma_wait3A_55 : memref<256x2048xf32, #tpu.memory_space<hbm>>)
      %add3A_56 = arith.constant 768 : i32
      %add3A_57 = arith.addi %mul3A_0, %add3A_56 : i32
      %dma_start3A_58 = arith.constant 0 : i32
      %dma_start3A_59 = tpu.memref_slice %arg7[%dma_start3A_58] : memref<3x!tpu.dma_semaphore, #tpu.memory_space<semaphore_mem>> -> memref<1x!tpu.dma_semaphore, #tpu.memory_space<semaphore_mem>>
      %dma_start3A_60 = tpu.memref_squeeze %dma_start3A_59 : memref<1x!tpu.dma_semaphore, #tpu.memory_space<semaphore_mem>> -> memref<!tpu.dma_semaphore, #tpu.memory_space<semaphore_mem>>
      %dma_start3A_61 = arith.constant 0 : i32
      %dma_start3A_62 = tpu.memref_slice %arg2[%add3A_57, %dma_start3A_61] : memref<4096x2048xf32, #tpu.memory_space<hbm>> -> memref<256x2048xf32, #tpu.memory_space<hbm>>
      tpu.enqueue_dma source(%dma_start3A_62 : memref<256x2048xf32, #tpu.memory_space<hbm>>) target(%arg4 : memref<256x2048xf32, #tpu.memory_space<vmem_shared>>) target_semaphore(%dma_start3A_60 : memref<!tpu.dma_semaphore, #tpu.memory_space<semaphore_mem>>)
      %add3A_63 = arith.constant 512 : i32
      %add3A_64 = arith.addi %mul3A_0, %add3A_63 : i32
      %dma_wait3A_65 = arith.constant 2 : i32
      %dma_wait3A_66 = tpu.memref_slice %arg7[%dma_wait3A_65] : memref<3x!tpu.dma_semaphore, #tpu.memory_space<semaphore_mem>> -> memref<1x!tpu.dma_semaphore, #tpu.memory_space<semaphore_mem>>
      %dma_wait3A_67 = tpu.memref_squeeze %dma_wait3A_66 : memref<1x!tpu.dma_semaphore, #tpu.memory_space<semaphore_mem>> -> memref<!tpu.dma_semaphore, #tpu.memory_space<semaphore_mem>>
      %dma_wait3A_68 = arith.constant 0 : i32
      %dma_wait3A_69 = tpu.memref_slice %arg2[%add3A_64, %dma_wait3A_68] : memref<4096x2048xf32, #tpu.memory_space<hbm>> -> memref<256x2048xf32, #tpu.memory_space<hbm>>
      tpu.wait_dma2 semaphore(%dma_wait3A_67 : memref<!tpu.dma_semaphore, #tpu.memory_space<semaphore_mem>>) src(%dma_wait3A_69 : memref<256x2048xf32, #tpu.memory_space<hbm>>) dst(%arg6 : memref<256x2048xf32, #tpu.memory_space<vmem_shared>>)
      %add3A_70 = arith.constant 512 : i32
      %add3A_71 = arith.addi %mul3A_0, %add3A_70 : i32
      %dma_start3A_72 = arith.constant 2 : i32
      %dma_start3A_73 = tpu.memref_slice %arg8[%dma_start3A_72] : memref<3x!tpu.dma_semaphore, #tpu.memory_space<semaphore_mem>> -> memref<1x!tpu.dma_semaphore, #tpu.memory_space<semaphore_mem>>
      %dma_start3A_74 = tpu.memref_squeeze %dma_start3A_73 : memref<1x!tpu.dma_semaphore, #tpu.memory_space<semaphore_mem>> -> memref<!tpu.dma_semaphore, #tpu.memory_space<semaphore_mem>>
      %dma_start3A_75 = arith.constant 0 : i32
      %dma_start3A_76 = tpu.memref_slice %arg3[%add3A_71, %dma_start3A_75] : memref<4096x2048xf32, #tpu.memory_space<hbm>> -> memref<256x2048xf32, #tpu.memory_space<hbm>>
      tpu.enqueue_dma source(%arg6 : memref<256x2048xf32, #tpu.memory_space<vmem_shared>>) target(%dma_start3A_76 : memref<256x2048xf32, #tpu.memory_space<hbm>>) target_semaphore(%dma_start3A_74 : memref<!tpu.dma_semaphore, #tpu.memory_space<semaphore_mem>>)
      %add3A_77 = arith.constant 256 : i32
      %add3A_78 = arith.addi %mul3A_0, %add3A_77 : i32
      %dma_wait3A_79 = arith.constant 1 : i32
      %dma_wait3A_80 = tpu.memref_slice %arg8[%dma_wait3A_79] : memref<3x!tpu.dma_semaphore, #tpu.memory_space<semaphore_mem>> -> memref<1x!tpu.dma_semaphore, #tpu.memory_space<semaphore_mem>>
      %dma_wait3A_81 = tpu.memref_squeeze %dma_wait3A_80 : memref<1x!tpu.dma_semaphore, #tpu.memory_space<semaphore_mem>> -> memref<!tpu.dma_semaphore, #tpu.memory_space<semaphore_mem>>
      %dma_wait3A_82 = arith.constant 0 : i32
      %dma_wait3A_83 = tpu.memref_slice %arg3[%add3A_78, %dma_wait3A_82] : memref<4096x2048xf32, #tpu.memory_space<hbm>> -> memref<256x2048xf32, #tpu.memory_space<hbm>>
      tpu.wait_dma2 semaphore(%dma_wait3A_81 : memref<!tpu.dma_semaphore, #tpu.memory_space<semaphore_mem>>) src(%arg5 : memref<256x2048xf32, #tpu.memory_space<vmem_shared>>) dst(%dma_wait3A_83 : memref<256x2048xf32, #tpu.memory_space<hbm>>)
      %add3A_84 = arith.constant 1024 : i32
      %add3A_85 = arith.addi %mul3A_0, %add3A_84 : i32
      %dma_start3A_86 = arith.constant 1 : i32
      %dma_start3A_87 = tpu.memref_slice %arg7[%dma_start3A_86] : memref<3x!tpu.dma_semaphore, #tpu.memory_space<semaphore_mem>> -> memref<1x!tpu.dma_semaphore, #tpu.memory_space<semaphore_mem>>
      %dma_start3A_88 = tpu.memref_squeeze %dma_start3A_87 : memref<1x!tpu.dma_semaphore, #tpu.memory_space<semaphore_mem>> -> memref<!tpu.dma_semaphore, #tpu.memory_space<semaphore_mem>>
      %dma_start3A_89 = arith.constant 0 : i32
      %dma_start3A_90 = tpu.memref_slice %arg2[%add3A_85, %dma_start3A_89] : memref<4096x2048xf32, #tpu.memory_space<hbm>> -> memref<256x2048xf32, #tpu.memory_space<hbm>>
      tpu.enqueue_dma source(%dma_start3A_90 : memref<256x2048xf32, #tpu.memory_space<hbm>>) target(%arg5 : memref<256x2048xf32, #tpu.memory_space<vmem_shared>>) target_semaphore(%dma_start3A_88 : memref<!tpu.dma_semaphore, #tpu.memory_space<semaphore_mem>>)
      %add3A_91 = arith.constant 768 : i32
      %add3A_92 = arith.addi %mul3A_0, %add3A_91 : i32
      %dma_wait3A_93 = arith.constant 0 : i32
      %dma_wait3A_94 = tpu.memref_slice %arg7[%dma_wait3A_93] : memref<3x!tpu.dma_semaphore, #tpu.memory_space<semaphore_mem>> -> memref<1x!tpu.dma_semaphore, #tpu.memory_space<semaphore_mem>>
      %dma_wait3A_95 = tpu.memref_squeeze %dma_wait3A_94 : memref<1x!tpu.dma_semaphore, #tpu.memory_space<semaphore_mem>> -> memref<!tpu.dma_semaphore, #tpu.memory_space<semaphore_mem>>
      %dma_wait3A_96 = arith.constant 0 : i32
      %dma_wait3A_97 = tpu.memref_slice %arg2[%add3A_92, %dma_wait3A_96] : memref<4096x2048xf32, #tpu.memory_space<hbm>> -> memref<256x2048xf32, #tpu.memory_space<hbm>>
      tpu.wait_dma2 semaphore(%dma_wait3A_95 : memref<!tpu.dma_semaphore, #tpu.memory_space<semaphore_mem>>) src(%dma_wait3A_97 : memref<256x2048xf32, #tpu.memory_space<hbm>>) dst(%arg4 : memref<256x2048xf32, #tpu.memory_space<vmem_shared>>)
      %add3A_98 = arith.constant 768 : i32
      %add3A_99 = arith.addi %mul3A_0, %add3A_98 : i32
      %dma_start3A_100 = arith.constant 0 : i32
      %dma_start3A_101 = tpu.memref_slice %arg8[%dma_start3A_100] : memref<3x!tpu.dma_semaphore, #tpu.memory_space<semaphore_mem>> -> memref<1x!tpu.dma_semaphore, #tpu.memory_space<semaphore_mem>>
      %dma_start3A_102 = tpu.memref_squeeze %dma_start3A_101 : memref<1x!tpu.dma_semaphore, #tpu.memory_space<semaphore_mem>> -> memref<!tpu.dma_semaphore, #tpu.memory_space<semaphore_mem>>
      %dma_start3A_103 = arith.constant 0 : i32
      %dma_start3A_104 = tpu.memref_slice %arg3[%add3A_99, %dma_start3A_103] : memref<4096x2048xf32, #tpu.memory_space<hbm>> -> memref<256x2048xf32, #tpu.memory_space<hbm>>
      tpu.enqueue_dma source(%arg4 : memref<256x2048xf32, #tpu.memory_space<vmem_shared>>) target(%dma_start3A_104 : memref<256x2048xf32, #tpu.memory_space<hbm>>) target_semaphore(%dma_start3A_102 : memref<!tpu.dma_semaphore, #tpu.memory_space<semaphore_mem>>)
      %add3A_105 = arith.constant 512 : i32
      %add3A_106 = arith.addi %mul3A_0, %add3A_105 : i32
      %dma_wait3A_107 = arith.constant 2 : i32
      %dma_wait3A_108 = tpu.memref_slice %arg8[%dma_wait3A_107] : memref<3x!tpu.dma_semaphore, #tpu.memory_space<semaphore_mem>> -> memref<1x!tpu.dma_semaphore, #tpu.memory_space<semaphore_mem>>
      %dma_wait3A_109 = tpu.memref_squeeze %dma_wait3A_108 : memref<1x!tpu.dma_semaphore, #tpu.memory_space<semaphore_mem>> -> memref<!tpu.dma_semaphore, #tpu.memory_space<semaphore_mem>>
      %dma_wait3A_110 = arith.constant 0 : i32
      %dma_wait3A_111 = tpu.memref_slice %arg3[%add3A_106, %dma_wait3A_110] : memref<4096x2048xf32, #tpu.memory_space<hbm>> -> memref<256x2048xf32, #tpu.memory_space<hbm>>
      tpu.wait_dma2 semaphore(%dma_wait3A_109 : memref<!tpu.dma_semaphore, #tpu.memory_space<semaphore_mem>>) src(%arg6 : memref<256x2048xf32, #tpu.memory_space<vmem_shared>>) dst(%dma_wait3A_111 : memref<256x2048xf32, #tpu.memory_space<hbm>>)
      %add3A_112 = arith.constant 1280 : i32
      %add3A_113 = arith.addi %mul3A_0, %add3A_112 : i32
      %dma_start3A_114 = arith.constant 2 : i32
      %dma_start3A_115 = tpu.memref_slice %arg7[%dma_start3A_114] : memref<3x!tpu.dma_semaphore, #tpu.memory_space<semaphore_mem>> -> memref<1x!tpu.dma_semaphore, #tpu.memory_space<semaphore_mem>>
      %dma_start3A_116 = tpu.memref_squeeze %dma_start3A_115 : memref<1x!tpu.dma_semaphore, #tpu.memory_space<semaphore_mem>> -> memref<!tpu.dma_semaphore, #tpu.memory_space<semaphore_mem>>
      %dma_start3A_117 = arith.constant 0 : i32
      %dma_start3A_118 = tpu.memref_slice %arg2[%add3A_113, %dma_start3A_117] : memref<4096x2048xf32, #tpu.memory_space<hbm>> -> memref<256x2048xf32, #tpu.memory_space<hbm>>
      tpu.enqueue_dma source(%dma_start3A_118 : memref<256x2048xf32, #tpu.memory_space<hbm>>) target(%arg6 : memref<256x2048xf32, #tpu.memory_space<vmem_shared>>) target_semaphore(%dma_start3A_116 : memref<!tpu.dma_semaphore, #tpu.memory_space<semaphore_mem>>)
      %add3A_119 = arith.constant 1024 : i32
      %add3A_120 = arith.addi %mul3A_0, %add3A_119 : i32
      %dma_wait3A_121 = arith.constant 1 : i32
      %dma_wait3A_122 = tpu.memref_slice %arg7[%dma_wait3A_121] : memref<3x!tpu.dma_semaphore, #tpu.memory_space<semaphore_mem>> -> memref<1x!tpu.dma_semaphore, #tpu.memory_space<semaphore_mem>>
      %dma_wait3A_123 = tpu.memref_squeeze %dma_wait3A_122 : memref<1x!tpu.dma_semaphore, #tpu.memory_space<semaphore_mem>> -> memref<!tpu.dma_semaphore, #tpu.memory_space<semaphore_mem>>
      %dma_wait3A_124 = arith.constant 0 : i32
      %dma_wait3A_125 = tpu.memref_slice %arg2[%add3A_120, %dma_wait3A_124] : memref<4096x2048xf32, #tpu.memory_space<hbm>> -> memref<256x2048xf32, #tpu.memory_space<hbm>>
      tpu.wait_dma2 semaphore(%dma_wait3A_123 : memref<!tpu.dma_semaphore, #tpu.memory_space<semaphore_mem>>) src(%dma_wait3A_125 : memref<256x2048xf32, #tpu.memory_space<hbm>>) dst(%arg5 : memref<256x2048xf32, #tpu.memory_space<vmem_shared>>)
      %add3A_126 = arith.constant 1024 : i32
      %add3A_127 = arith.addi %mul3A_0, %add3A_126 : i32
      %dma_start3A_128 = arith.constant 1 : i32
      %dma_start3A_129 = tpu.memref_slice %arg8[%dma_start3A_128] : memref<3x!tpu.dma_semaphore, #tpu.memory_space<semaphore_mem>> -> memref<1x!tpu.dma_semaphore, #tpu.memory_space<semaphore_mem>>
      %dma_start3A_130 = tpu.memref_squeeze %dma_start3A_129 : memref<1x!tpu.dma_semaphore, #tpu.memory_space<semaphore_mem>> -> memref<!tpu.dma_semaphore, #tpu.memory_space<semaphore_mem>>
      %dma_start3A_131 = arith.constant 0 : i32
      %dma_start3A_132 = tpu.memref_slice %arg3[%add3A_127, %dma_start3A_131] : memref<4096x2048xf32, #tpu.memory_space<hbm>> -> memref<256x2048xf32, #tpu.memory_space<hbm>>
      tpu.enqueue_dma source(%arg5 : memref<256x2048xf32, #tpu.memory_space<vmem_shared>>) target(%dma_start3A_132 : memref<256x2048xf32, #tpu.memory_space<hbm>>) target_semaphore(%dma_start3A_130 : memref<!tpu.dma_semaphore, #tpu.memory_space<semaphore_mem>>)
      %add3A_133 = arith.constant 768 : i32
      %add3A_134 = arith.addi %mul3A_0, %add3A_133 : i32
      %dma_wait3A_135 = arith.constant 0 : i32
      %dma_wait3A_136 = tpu.memref_slice %arg8[%dma_wait3A_135] : memref<3x!tpu.dma_semaphore, #tpu.memory_space<semaphore_mem>> -> memref<1x!tpu.dma_semaphore, #tpu.memory_space<semaphore_mem>>
      %dma_wait3A_137 = tpu.memref_squeeze %dma_wait3A_136 : memref<1x!tpu.dma_semaphore, #tpu.memory_space<semaphore_mem>> -> memref<!tpu.dma_semaphore, #tpu.memory_space<semaphore_mem>>
      %dma_wait3A_138 = arith.constant 0 : i32
      %dma_wait3A_139 = tpu.memref_slice %arg3[%add3A_134, %dma_wait3A_138] : memref<4096x2048xf32, #tpu.memory_space<hbm>> -> memref<256x2048xf32, #tpu.memory_space<hbm>>
      tpu.wait_dma2 semaphore(%dma_wait3A_137 : memref<!tpu.dma_semaphore, #tpu.memory_space<semaphore_mem>>) src(%arg4 : memref<256x2048xf32, #tpu.memory_space<vmem_shared>>) dst(%dma_wait3A_139 : memref<256x2048xf32, #tpu.memory_space<hbm>>)
      %add3A_140 = arith.constant 1536 : i32
      %add3A_141 = arith.addi %mul3A_0, %add3A_140 : i32
      %dma_start3A_142 = arith.constant 0 : i32
      %dma_start3A_143 = tpu.memref_slice %arg7[%dma_start3A_142] : memref<3x!tpu.dma_semaphore, #tpu.memory_space<semaphore_mem>> -> memref<1x!tpu.dma_semaphore, #tpu.memory_space<semaphore_mem>>
      %dma_start3A_144 = tpu.memref_squeeze %dma_start3A_143 : memref<1x!tpu.dma_semaphore, #tpu.memory_space<semaphore_mem>> -> memref<!tpu.dma_semaphore, #tpu.memory_space<semaphore_mem>>
      %dma_start3A_145 = arith.constant 0 : i32
      %dma_start3A_146 = tpu.memref_slice %arg2[%add3A_141, %dma_start3A_145] : memref<4096x2048xf32, #tpu.memory_space<hbm>> -> memref<256x2048xf32, #tpu.memory_space<hbm>>
      tpu.enqueue_dma source(%dma_start3A_146 : memref<256x2048xf32, #tpu.memory_space<hbm>>) target(%arg4 : memref<256x2048xf32, #tpu.memory_space<vmem_shared>>) target_semaphore(%dma_start3A_144 : memref<!tpu.dma_semaphore, #tpu.memory_space<semaphore_mem>>)
      %add3A_147 = arith.constant 1280 : i32
      %add3A_148 = arith.addi %mul3A_0, %add3A_147 : i32
      %dma_wait3A_149 = arith.constant 2 : i32
      %dma_wait3A_150 = tpu.memref_slice %arg7[%dma_wait3A_149] : memref<3x!tpu.dma_semaphore, #tpu.memory_space<semaphore_mem>> -> memref<1x!tpu.dma_semaphore, #tpu.memory_space<semaphore_mem>>
      %dma_wait3A_151 = tpu.memref_squeeze %dma_wait3A_150 : memref<1x!tpu.dma_semaphore, #tpu.memory_space<semaphore_mem>> -> memref<!tpu.dma_semaphore, #tpu.memory_space<semaphore_mem>>
      %dma_wait3A_152 = arith.constant 0 : i32
      %dma_wait3A_153 = tpu.memref_slice %arg2[%add3A_148, %dma_wait3A_152] : memref<4096x2048xf32, #tpu.memory_space<hbm>> -> memref<256x2048xf32, #tpu.memory_space<hbm>>
      tpu.wait_dma2 semaphore(%dma_wait3A_151 : memref<!tpu.dma_semaphore, #tpu.memory_space<semaphore_mem>>) src(%dma_wait3A_153 : memref<256x2048xf32, #tpu.memory_space<hbm>>) dst(%arg6 : memref<256x2048xf32, #tpu.memory_space<vmem_shared>>)
      %add3A_154 = arith.constant 1280 : i32
      %add3A_155 = arith.addi %mul3A_0, %add3A_154 : i32
      %dma_start3A_156 = arith.constant 2 : i32
      %dma_start3A_157 = tpu.memref_slice %arg8[%dma_start3A_156] : memref<3x!tpu.dma_semaphore, #tpu.memory_space<semaphore_mem>> -> memref<1x!tpu.dma_semaphore, #tpu.memory_space<semaphore_mem>>
      %dma_start3A_158 = tpu.memref_squeeze %dma_start3A_157 : memref<1x!tpu.dma_semaphore, #tpu.memory_space<semaphore_mem>> -> memref<!tpu.dma_semaphore, #tpu.memory_space<semaphore_mem>>
      %dma_start3A_159 = arith.constant 0 : i32
      %dma_start3A_160 = tpu.memref_slice %arg3[%add3A_155, %dma_start3A_159] : memref<4096x2048xf32, #tpu.memory_space<hbm>> -> memref<256x2048xf32, #tpu.memory_space<hbm>>
      tpu.enqueue_dma source(%arg6 : memref<256x2048xf32, #tpu.memory_space<vmem_shared>>) target(%dma_start3A_160 : memref<256x2048xf32, #tpu.memory_space<hbm>>) target_semaphore(%dma_start3A_158 : memref<!tpu.dma_semaphore, #tpu.memory_space<semaphore_mem>>)
      %add3A_161 = arith.constant 1024 : i32
      %add3A_162 = arith.addi %mul3A_0, %add3A_161 : i32
      %dma_wait3A_163 = arith.constant 1 : i32
      %dma_wait3A_164 = tpu.memref_slice %arg8[%dma_wait3A_163] : memref<3x!tpu.dma_semaphore, #tpu.memory_space<semaphore_mem>> -> memref<1x!tpu.dma_semaphore, #tpu.memory_space<semaphore_mem>>
      %dma_wait3A_165 = tpu.memref_squeeze %dma_wait3A_164 : memref<1x!tpu.dma_semaphore, #tpu.memory_space<semaphore_mem>> -> memref<!tpu.dma_semaphore, #tpu.memory_space<semaphore_mem>>
      %dma_wait3A_166 = arith.constant 0 : i32
      %dma_wait3A_167 = tpu.memref_slice %arg3[%add3A_162, %dma_wait3A_166] : memref<4096x2048xf32, #tpu.memory_space<hbm>> -> memref<256x2048xf32, #tpu.memory_space<hbm>>
      tpu.wait_dma2 semaphore(%dma_wait3A_165 : memref<!tpu.dma_semaphore, #tpu.memory_space<semaphore_mem>>) src(%arg5 : memref<256x2048xf32, #tpu.memory_space<vmem_shared>>) dst(%dma_wait3A_167 : memref<256x2048xf32, #tpu.memory_space<hbm>>)
      %add3A_168 = arith.constant 1792 : i32
      %add3A_169 = arith.addi %mul3A_0, %add3A_168 : i32
      %dma_start3A_170 = arith.constant 1 : i32
      %dma_start3A_171 = tpu.memref_slice %arg7[%dma_start3A_170] : memref<3x!tpu.dma_semaphore, #tpu.memory_space<semaphore_mem>> -> memref<1x!tpu.dma_semaphore, #tpu.memory_space<semaphore_mem>>
      %dma_start3A_172 = tpu.memref_squeeze %dma_start3A_171 : memref<1x!tpu.dma_semaphore, #tpu.memory_space<semaphore_mem>> -> memref<!tpu.dma_semaphore, #tpu.memory_space<semaphore_mem>>
      %dma_start3A_173 = arith.constant 0 : i32
      %dma_start3A_174 = tpu.memref_slice %arg2[%add3A_169, %dma_start3A_173] : memref<4096x2048xf32, #tpu.memory_space<hbm>> -> memref<256x2048xf32, #tpu.memory_space<hbm>>
      tpu.enqueue_dma source(%dma_start3A_174 : memref<256x2048xf32, #tpu.memory_space<hbm>>) target(%arg5 : memref<256x2048xf32, #tpu.memory_space<vmem_shared>>) target_semaphore(%dma_start3A_172 : memref<!tpu.dma_semaphore, #tpu.memory_space<semaphore_mem>>)
      %add3A_175 = arith.constant 1536 : i32
      %add3A_176 = arith.addi %mul3A_0, %add3A_175 : i32
      %dma_wait3A_177 = arith.constant 0 : i32
      %dma_wait3A_178 = tpu.memref_slice %arg7[%dma_wait3A_177] : memref<3x!tpu.dma_semaphore, #tpu.memory_space<semaphore_mem>> -> memref<1x!tpu.dma_semaphore, #tpu.memory_space<semaphore_mem>>
      %dma_wait3A_179 = tpu.memref_squeeze %dma_wait3A_178 : memref<1x!tpu.dma_semaphore, #tpu.memory_space<semaphore_mem>> -> memref<!tpu.dma_semaphore, #tpu.memory_space<semaphore_mem>>
      %dma_wait3A_180 = arith.constant 0 : i32
      %dma_wait3A_181 = tpu.memref_slice %arg2[%add3A_176, %dma_wait3A_180] : memref<4096x2048xf32, #tpu.memory_space<hbm>> -> memref<256x2048xf32, #tpu.memory_space<hbm>>
      tpu.wait_dma2 semaphore(%dma_wait3A_179 : memref<!tpu.dma_semaphore, #tpu.memory_space<semaphore_mem>>) src(%dma_wait3A_181 : memref<256x2048xf32, #tpu.memory_space<hbm>>) dst(%arg4 : memref<256x2048xf32, #tpu.memory_space<vmem_shared>>)
      %add3A_182 = arith.constant 1536 : i32
      %add3A_183 = arith.addi %mul3A_0, %add3A_182 : i32
      %dma_start3A_184 = arith.constant 0 : i32
      %dma_start3A_185 = tpu.memref_slice %arg8[%dma_start3A_184] : memref<3x!tpu.dma_semaphore, #tpu.memory_space<semaphore_mem>> -> memref<1x!tpu.dma_semaphore, #tpu.memory_space<semaphore_mem>>
      %dma_start3A_186 = tpu.memref_squeeze %dma_start3A_185 : memref<1x!tpu.dma_semaphore, #tpu.memory_space<semaphore_mem>> -> memref<!tpu.dma_semaphore, #tpu.memory_space<semaphore_mem>>
      %dma_start3A_187 = arith.constant 0 : i32
      %dma_start3A_188 = tpu.memref_slice %arg3[%add3A_183, %dma_start3A_187] : memref<4096x2048xf32, #tpu.memory_space<hbm>> -> memref<256x2048xf32, #tpu.memory_space<hbm>>
      tpu.enqueue_dma source(%arg4 : memref<256x2048xf32, #tpu.memory_space<vmem_shared>>) target(%dma_start3A_188 : memref<256x2048xf32, #tpu.memory_space<hbm>>) target_semaphore(%dma_start3A_186 : memref<!tpu.dma_semaphore, #tpu.memory_space<semaphore_mem>>)
      %add3A_189 = arith.constant 1792 : i32
      %add3A_190 = arith.addi %mul3A_0, %add3A_189 : i32
      %dma_wait3A_191 = arith.constant 1 : i32
      %dma_wait3A_192 = tpu.memref_slice %arg7[%dma_wait3A_191] : memref<3x!tpu.dma_semaphore, #tpu.memory_space<semaphore_mem>> -> memref<1x!tpu.dma_semaphore, #tpu.memory_space<semaphore_mem>>
      %dma_wait3A_193 = tpu.memref_squeeze %dma_wait3A_192 : memref<1x!tpu.dma_semaphore, #tpu.memory_space<semaphore_mem>> -> memref<!tpu.dma_semaphore, #tpu.memory_space<semaphore_mem>>
      %dma_wait3A_194 = arith.constant 0 : i32
      %dma_wait3A_195 = tpu.memref_slice %arg2[%add3A_190, %dma_wait3A_194] : memref<4096x2048xf32, #tpu.memory_space<hbm>> -> memref<256x2048xf32, #tpu.memory_space<hbm>>
      tpu.wait_dma2 semaphore(%dma_wait3A_193 : memref<!tpu.dma_semaphore, #tpu.memory_space<semaphore_mem>>) src(%dma_wait3A_195 : memref<256x2048xf32, #tpu.memory_space<hbm>>) dst(%arg5 : memref<256x2048xf32, #tpu.memory_space<vmem_shared>>)
      %add3A_196 = arith.constant 1792 : i32
      %add3A_197 = arith.addi %mul3A_0, %add3A_196 : i32
      %dma_start3A_198 = arith.constant 1 : i32
      %dma_start3A_199 = tpu.memref_slice %arg8[%dma_start3A_198] : memref<3x!tpu.dma_semaphore, #tpu.memory_space<semaphore_mem>> -> memref<1x!tpu.dma_semaphore, #tpu.memory_space<semaphore_mem>>
      %dma_start3A_200 = tpu.memref_squeeze %dma_start3A_199 : memref<1x!tpu.dma_semaphore, #tpu.memory_space<semaphore_mem>> -> memref<!tpu.dma_semaphore, #tpu.memory_space<semaphore_mem>>
      %dma_start3A_201 = arith.constant 0 : i32
      %dma_start3A_202 = tpu.memref_slice %arg3[%add3A_197, %dma_start3A_201] : memref<4096x2048xf32, #tpu.memory_space<hbm>> -> memref<256x2048xf32, #tpu.memory_space<hbm>>
      tpu.enqueue_dma source(%arg5 : memref<256x2048xf32, #tpu.memory_space<vmem_shared>>) target(%dma_start3A_202 : memref<256x2048xf32, #tpu.memory_space<hbm>>) target_semaphore(%dma_start3A_200 : memref<!tpu.dma_semaphore, #tpu.memory_space<semaphore_mem>>)
      %add3A_203 = arith.constant 1280 : i32
      %add3A_204 = arith.addi %mul3A_0, %add3A_203 : i32
      %dma_wait3A_205 = arith.constant 2 : i32
      %dma_wait3A_206 = tpu.memref_slice %arg8[%dma_wait3A_205] : memref<3x!tpu.dma_semaphore, #tpu.memory_space<semaphore_mem>> -> memref<1x!tpu.dma_semaphore, #tpu.memory_space<semaphore_mem>>
      %dma_wait3A_207 = tpu.memref_squeeze %dma_wait3A_206 : memref<1x!tpu.dma_semaphore, #tpu.memory_space<semaphore_mem>> -> memref<!tpu.dma_semaphore, #tpu.memory_space<semaphore_mem>>
      %dma_wait3A_208 = arith.constant 0 : i32
      %dma_wait3A_209 = tpu.memref_slice %arg3[%add3A_204, %dma_wait3A_208] : memref<4096x2048xf32, #tpu.memory_space<hbm>> -> memref<256x2048xf32, #tpu.memory_space<hbm>>
      tpu.wait_dma2 semaphore(%dma_wait3A_207 : memref<!tpu.dma_semaphore, #tpu.memory_space<semaphore_mem>>) src(%arg6 : memref<256x2048xf32, #tpu.memory_space<vmem_shared>>) dst(%dma_wait3A_209 : memref<256x2048xf32, #tpu.memory_space<hbm>>)
      %add3A_210 = arith.constant 1536 : i32
      %add3A_211 = arith.addi %mul3A_0, %add3A_210 : i32
      %dma_wait3A_212 = arith.constant 0 : i32
      %dma_wait3A_213 = tpu.memref_slice %arg8[%dma_wait3A_212] : memref<3x!tpu.dma_semaphore, #tpu.memory_space<semaphore_mem>> -> memref<1x!tpu.dma_semaphore, #tpu.memory_space<semaphore_mem>>
      %dma_wait3A_214 = tpu.memref_squeeze %dma_wait3A_213 : memref<1x!tpu.dma_semaphore, #tpu.memory_space<semaphore_mem>> -> memref<!tpu.dma_semaphore, #tpu.memory_space<semaphore_mem>>
      %dma_wait3A_215 = arith.constant 0 : i32
      %dma_wait3A_216 = tpu.memref_slice %arg3[%add3A_211, %dma_wait3A_215] : memref<4096x2048xf32, #tpu.memory_space<hbm>> -> memref<256x2048xf32, #tpu.memory_space<hbm>>
      tpu.wait_dma2 semaphore(%dma_wait3A_214 : memref<!tpu.dma_semaphore, #tpu.memory_space<semaphore_mem>>) src(%arg4 : memref<256x2048xf32, #tpu.memory_space<vmem_shared>>) dst(%dma_wait3A_216 : memref<256x2048xf32, #tpu.memory_space<hbm>>)
      %add3A_217 = arith.constant 1792 : i32
      %add3A_218 = arith.addi %mul3A_0, %add3A_217 : i32
      %dma_wait3A_219 = arith.constant 1 : i32
      %dma_wait3A_220 = tpu.memref_slice %arg8[%dma_wait3A_219] : memref<3x!tpu.dma_semaphore, #tpu.memory_space<semaphore_mem>> -> memref<1x!tpu.dma_semaphore, #tpu.memory_space<semaphore_mem>>
      %dma_wait3A_221 = tpu.memref_squeeze %dma_wait3A_220 : memref<1x!tpu.dma_semaphore, #tpu.memory_space<semaphore_mem>> -> memref<!tpu.dma_semaphore, #tpu.memory_space<semaphore_mem>>
      %dma_wait3A_222 = arith.constant 0 : i32
      %dma_wait3A_223 = tpu.memref_slice %arg3[%add3A_218, %dma_wait3A_222] : memref<4096x2048xf32, #tpu.memory_space<hbm>> -> memref<256x2048xf32, #tpu.memory_space<hbm>>
      tpu.wait_dma2 semaphore(%dma_wait3A_221 : memref<!tpu.dma_semaphore, #tpu.memory_space<semaphore_mem>>) src(%arg5 : memref<256x2048xf32, #tpu.memory_space<vmem_shared>>) dst(%dma_wait3A_223 : memref<256x2048xf32, #tpu.memory_space<hbm>>)
    } else {
    }
    return
  }
}

</mosaic_0001>

<sc_bundles>
// kernel: kernel.3.cloned.1.call-start
scs
__scs_entry_jumppad:
0x0: {  	(pc) =	sbr.rel $0x88, $3  }
0x1: {  	(tag) =	ssettag $0x0;
	lr =	simm.s32 $0x1  }
0x2: {  	[smem:$0x3FA0] =	sst lr;
	_ =	strace $0xD0000000  }
0x3: {  	_ = 	snop  }
0x4: {  	_ = 	snop  }
0x5: {  	_ = 	snop  }
0x6: {  	_ = 	snop  }
0x7: {  	_ = 	snop  }
__scs_overlays_trampoline_lowered:
0x8: {  	[smem:$0x3FAF] =	sst s0  }
0x9: {  	[smem:$0x3FB0] =	sst s1  }
0xa: {  	[smem:$0x3FB1] =	sst s2  }
0xb: {  	[smem:$0x3FB2] =	sst s3  }
0xc: {  	[smem:$0x3FB3] =	sst s4  }
0xd: {  	[smem:$0x3FB4] =	sst s5  }
0xe: {  	[smem:$0x3FB5] =	sst s6  }
0xf: {  	[smem:$0x3FB6] =	sst s7  }
0x10: {  	[smem:$0x3FB7] =	sst s8  }
0x11: {  	[smem:$0x3FB8] =	sst s9;
	s0 =	simm.s32 @!p0 $0x0  }
0x12: {  	s1 =	sld [smem:$0x3F9E];
	s0 =	simm.s32 @p0 $0x1  }
0x13: {  	[smem:$0x3FB9] =	sst s0;
	s0 =	simm.s32 @!p1 $0x0  }
0x14: {  	s2 =	sld [smem:$0x3F9D];
	s0 =	simm.s32 @p1 $0x1  }
0x15: {  	[smem:$0x3FBA] =	sst s0;
	s0 =	simm.s32 @!p2 $0x0  }
0x16: {  	s3 =	sld [smem:$0x3FDB];
	s0 =	simm.s32 @p2 $0x1  }
0x17: {  	s4 =	simm.s32 $0x1BF5;
	[smem:$0x3FBC] =	sst s0  }
0x18: {  	s0 =	sld [smem:$0x3F9F];
	_ =	swait.ge [sflag:s4], $0x0  }
0x19: {  	s7 =	sld [smem:$0x3FA0]  }
0x1a: {  	s8 =	sadd.s32 $0xFFFFE003, lr  }
0x1b: {  	s9 =	sadd.s32 $0xFFFFFEF7, lr;
	s5 =	simm.s32 $0xFFFFFFFF;
	p2 =	slt.u32 s8, $0xFFFFF086  }
0x1c: {  	p1 =	slt.u32 s9, $0xF7A;
	s5 =	simm.s32 @!p2 $0x0  }
0x1d: {  	s5 =	simm.s32 @p1 $0x1;
	p0 =	seq.s32 s7, s2  }
0x1e: {  	s7 =	smul.u32 @!p0 $0xF7A, s2;
	p2 =	seq.s32 @!p0 s5, $0x0  }
0x1f: {  	s9 =	smul.u32 $0xF7A, s1;
	s8 =	simm.s32 @!p0 $0x1BF5;
	p2 =	por !p2, p0  }
0x20: {  	[sflag:s8] =	ssyncset.s32 @!p0 $0xFFFFF086;
	s6 =	sadd.s32 @!p0 s3, s7;
	s7 =	simm.s32 @!p0 $0x108  }
0x21: {  	s3 =	sadd.s32 s3, s9;
	s6 =	sadd.s32 @!p0 $0x88, s6;
	s7 =	simm.s32 @p2 $0x1082  }
0x22: {  	[simem:s7], [sflag:s8] =	dma.local @!p0 [hbm:s6], $0xF7A  }
0x23: {  	s9 =	sor.u32 $0xD0000000, s2;
	s6 =	simm.s32 $0x108;
	_ =	swait.ge @!p0 [sflag:s8], $0x0  }
0x24: {  	s3 =	sadd.s32 $0x88, s3;
	s6 =	simm.s32 @!p1 $0x1082;
	[sflag:s4] =	ssyncset.s32 $0xFFFFF086  }
0x25: {  	[simem:s6], [sflag:s4] =	dma.local [hbm:s3], $0xF7A  }
0x26: {  	[smem:$0x3FA0] =	sst s1;
	(tag) =	ssettag s2;
	_ =	strace s9  }
0x27: {  	s1 =	sld [smem:$0x3FB0]  }
0x28: {  	s2 =	sld [smem:$0x3FB1]  }
0x29: {  	s4 =	sld [smem:$0x3FB3]  }
0x2a: {  	p0 =	seq.s32 s5, $0x0;
	s5 =	sld [smem:$0x3FB4]  }
0x2b: {  	s6 =	sld [smem:$0x3FB5]  }
0x2c: {  	s7 =	sld [smem:$0x3FB6]  }
0x2d: {  	s3 =	simm.s32 $0x108;
	s8 =	sld [smem:$0x3FB7]  }
0x2e: {  	s3 =	simm.s32 @!p0 $0x1082;
	s9 =	sld [smem:$0x3FB8]  }
0x2f: {  	lr =	sadd.s32 s0, s3;
	s0 =	sld [smem:$0x3FAF]  }
0x30: {  	s3 =	sld [smem:$0x3FB2]  }
0x31: {  	[smem:$0x3FBB] =	sst s10  }
0x32: {  	s10 =	sld [smem:$0x3FB9];
	_ =	sdelay $0x3  }
0x33: {  	p0 =	seq.s32 s10, $0x1;
	s10 =	sld [smem:$0x3FBB];
	_ =	sdelay $0x3  }
0x34: {  	[smem:$0x3FBB] =	sst s10  }
0x35: {  	s10 =	sld [smem:$0x3FBA];
	_ =	sdelay $0x3  }
0x36: {  	p1 =	seq.s32 s10, $0x1;
	s10 =	sld [smem:$0x3FBB];
	_ =	sdelay $0x3  }
0x37: {  	[smem:$0x3FBB] =	sst s10  }
0x38: {  	s10 =	sld [smem:$0x3FBC]  }
0x39: {  	_ = 	snop;
	(pc) =	sbr.ind lr, $3  }
0x3a: {  	_ = 	snop  }
0x3b: {  	_ = 	snop  }
0x3c: {  	p2 =	seq.s32 s10, $0x1;
	s10 =	sld [smem:$0x3FBB]  }
0x3d: {  	_ =	shalt  }
0x3e: {  	_ =	shalt  }
0x3f: {  	_ =	shalt  }
0x40: {  	_ =	shalt  }
0x41: {  	_ =	shalt  }
0x42: {  	_ =	shalt  }
0x43: {  	_ =	shalt  }
0x44: {  	_ =	shalt  }
0x45: {  	_ =	shalt  }
0x46: {  	_ =	shalt  }
0x47: {  	_ =	shalt  }
0x48: {  	_ =	shalt  }
0x49: {  	_ =	shalt  }
0x4a: {  	_ =	shalt  }
0x4b: {  	_ =	shalt  }
0x4c: {  	_ =	shalt  }
0x4d: {  	_ =	shalt  }
0x4e: {  	_ =	shalt  }
0x4f: {  	_ =	shalt  }
0x50: {  	_ =	shalt  }
0x51: {  	_ =	shalt  }
0x52: {  	_ =	shalt  }
0x53: {  	_ =	shalt  }
0x54: {  	_ =	shalt  }
0x55: {  	_ =	shalt  }
0x56: {  	_ =	shalt  }
0x57: {  	_ =	shalt  }
0x58: {  	_ =	shalt  }
0x59: {  	_ =	shalt  }
0x5a: {  	_ =	shalt  }
0x5b: {  	_ =	shalt  }
0x5c: {  	_ =	shalt  }
0x5d: {  	_ =	shalt  }
0x5e: {  	_ =	shalt  }
0x5f: {  	_ =	shalt  }
0x60: {  	_ =	shalt  }
0x61: {  	_ =	shalt  }
0x62: {  	_ =	shalt  }
0x63: {  	_ =	shalt  }
0x64: {  	_ =	shalt  }
0x65: {  	_ =	shalt  }
0x66: {  	_ =	shalt  }
0x67: {  	_ =	shalt  }
0x68: {  	_ =	shalt  }
0x69: {  	_ =	shalt  }
0x6a: {  	_ =	shalt  }
0x6b: {  	_ =	shalt  }
0x6c: {  	_ =	shalt  }
0x6d: {  	_ =	shalt  }
0x6e: {  	_ =	shalt  }
0x6f: {  	_ =	shalt  }
0x70: {  	_ =	shalt  }
0x71: {  	_ =	shalt  }
0x72: {  	_ =	shalt  }
0x73: {  	_ =	shalt  }
0x74: {  	_ =	shalt  }
0x75: {  	_ =	shalt  }
0x76: {  	_ =	shalt  }
0x77: {  	_ =	shalt  }
0x78: {  	_ =	shalt  }
0x79: {  	_ =	shalt  }
0x7a: {  	_ =	shalt  }
0x7b: {  	_ =	shalt  }
0x7c: {  	_ =	shalt  }
0x7d: {  	_ =	shalt  }
0x7e: {  	_ =	shalt  }
0x7f: {  	_ =	shalt  }
0x80: {  	_ =	shalt  }
0x81: {  	_ =	shalt  }
0x82: {  	_ =	shalt  }
0x83: {  	_ =	shalt  }
0x84: {  	_ =	shalt  }
0x85: {  	_ =	shalt  }
0x86: {  	_ =	shalt  }
0x87: {  	_ =	shalt  }
.Lfunc_end0:
.L_simem_size_0:
called_computation_lowered:
.L_overlay_start_0:
0x88: {  	s2 =	sld [smem:$0x3FD9]  }
0x89: {  	s3 =	sld [smem:$0x3FFE];
	_ =	sdelay $0x1  }
0x8a: {  	s1 =	srdreg.scid  }
0x8b: {  	s0 =	sand.u32 $0x1, s1  }
0x8c: {  	s18 =	sshll.u32 s0, $0xA;
	s2 =	sadd.s32 s3, s2  }
0x8d: {  	s2 =	sadd.s32 s2, s18  }
0x8e: {  	[smem:$0x3FC7] =	sst s2  }
0x8f: {  	_ = 	snop  }
0x90: {  	s2 =	sld [smem:$0x3FC9]  }
0x91: {  	s19 =	sld [smem:$0x3FD0];
	(tm) =	ssettm $0x1  }
0x92: {  	s4 =	sld [smem:$0x3FFB];
	_ =	sdelay $0x3  }
0x93: {  	_ =	strace s4  }
0x94: {  	s4 =	sld [smem:$0x3FFC];
	_ =	sdelay $0x3  }
0x95: {  	_ =	strace s4  }
0x96: {  	s4 =	sld [smem:$0x3FFD];
	_ =	sdelay $0x3  }
0x97: {  	_ =	strace s4  }
0x98: {  	_ =	strace $0x8FFFFFFF  }
0x99: {  	s20 =	sld [smem:$0x3FDB];
	_ =	sdelay $0x1  }
0x9a: {  	s5 =	simm.s32 $_scs_section_size  }
0x9b: {  	s6 =	simm.s32 $_size__tile_overlayer_lowered;
	s7 =	simm.s32 $_tile_overlayer_lowered  }
0x9c: {  	s23 =	simm.s32 $0x1BFF;
	s22 =	sshll.u32 s7, $0x1;
	s4 =	sadd.s32 s5, s20  }
0x9d: {  	s8 =	simm.s32 $0x0;
	s21 =	sshll.u32 s6, $0x1;
	s6 =	sadd.s32 s22, s4  }
0x9e: {  	[timem:s8], [sflag:s23] =	dma.local [hbm:s6], s21  }
0x9f: {  	_ =	swait.ge [sflag:s23], s21  }
0xa0: {  	s5 =	ssub.s32 $0x0, s21;
	[sflag:s23] =	ssyncset.done $0x0  }
0xa1: {  	[sflag:s23] =	ssyncadd.s32 s5;
	_ =	sdelay $0x1  }
0xa2: {  	s24 =	simm.s32 $0x1B8B  }
0xa3: {  	_ =	swait.ge [sflag:s24], $0x1  }
0xa4: {  	[sflag:s24] =	ssyncset.done $0x0  }
0xa5: {  	s25 =	simm.s32 $0x1B8E;
	[sflag:s24] =	ssyncadd.s32 $0xFFFFFFFF  }
0xa6: {  	s26 =	simm.s32 $execute0_lowered;
	[smem:$0x3FD2] =	sst s25  }
0xa7: {  	s5 =	sshll.u32 s26, $0x1;
	_ =	strace $0x80000046;
	[dreg:$0x1] =	wrdreg $0xFFFFFFFF  }
0xa8: {  	s28 =	simm.s32 $_size_execute0_lowered;
	s4 =	sadd.s32 s4, s5;
	[dreg:$0x0] =	wrdreg $0x0  }
0xa9: {  	s5 =	sshll.u32 s28, $0x1;
	[dreg:$0x2] =	wrdreg s4  }
0xaa: {  	[dreg:$0x3] =	wrdreg s5  }
0xab: {  	[dreg:$0x4] =	wrdreg $0xC0  }
0xac: {  	_ =	task [dreg:s8], $0x5FFFF  }
0xad: {  	[dreg:$0x1] =	wrdreg $0xFFFFFFFF  }
0xae: {  	[dreg:$0x0] =	wrdreg $0x60  }
0xaf: {  	[dreg:$0x2] =	wrdreg s2  }
0xb0: {  	[dreg:$0x3] =	wrdreg s19  }
0xb1: {  	[dreg:$0x4] =	wrdreg $0x0  }
0xb2: {  	[dreg:$0x5] =	wrdreg $0x80000  }
0xb3: {  	[dreg:$0x6] =	wrdreg $0x100000  }
0xb4: {  	[dreg:$0x7] =	wrdreg $0x9  }
0xb5: {  	_ =	task.clear_ibuf [dreg:s8], $0x8FFFF;
	_ =	strace $0x90000046  }
0xb6: {  	s29 =	simm.s32 $0x9;
	_ =	strace $0x80000048  }
0xb7: {  	_ =	swait.ge [sflag:s29], $0x1  }
0xb8: {  	[sflag:s29] =	ssyncadd.s32 $0xFFFFFFFF  }
0xb9: {  	_ =	strace $0x90000048  }
0xba: {  	_ =	sfence  }
0xbb: {  	s30 =	sld [smem:$0x0];
	_ =	sdelay $0x2  }
0xbc: {  	s31 =	sshll.u32 s1, $0xD;
	s1 =	sshrl.u32 s1, $0x2  }
0xbd: {  	s3 =	sand.u32 $0x4000, s31;
	s1 =	sadd.s32 s1, s30  }
0xbe: {  	s0 =	sor.u32 s3, s0;
	s1 =	sshll.u32 s1, $0x11  }
0xbf: {  	s0 =	sor.u32 s1, s0  }
0xc0: {  	s0 =	sadd.s32 $0x8F2B, s0  }
0xc1: {  	[sflag:s0] =	ssyncadd.remote.s32 $0x1  }
0xc2: {  	_ =	sfence.sel $0xFFFF  }
0xc3: {  	[dreg:$0x0] =	wrdreg $0xFFFFFFFF;
	(pc) =	sbr.abs _section_cstart, $3  }
0xc4: {  	[dreg:$0x1] =	wrdreg $0xFFFFFFFF  }
0xc5: {  	_ =	task.clear_ibuf [dreg:s8], $0x2FFFF;
	_ =	strace $0x9FFFFFFF  }
0xc6: {  	(tm) =	ssettm $0x7FFFFFFF  }
0xc7: {  	_ =	shalt  }
tec
execute0_lowered:
.L_overlay_start_1:
0x0: {  	(tag) =	ssettag $0x1  }
0x1: {  	s28 =	rddreg [dreg:$0x0];
	s2 =	stileid.u32  }
0x2: {  	s31 =	rddreg [dreg:$0x1];
	p0 =	sne.s32 s2, $0x0  }
.Ltmp0:
0x3: {  	s3 =	rddreg [dreg:$0x2];
	(pc) =	sbr.rel @p0 .LBB2_4-.Ltmp0, $4  }
0x4: {  	s4 =	rddreg [dreg:$0x3]  }
0x5: {  	s9 =	rddreg [dreg:$0x4];
	s1 =	simm.s32 $0x0  }
0x6: {  	[smem:$0x7FF] =	sst s1  }
0x7: {  	s0 =	rddreg [dreg:$0x5];
	_ =	strace $0x80000047  }
0x8: {  	s1 =	srdreg.scid  }
0x9: {  	s0 =	sand.u32 $0x1, s1  }
0xa: {  	s2 =	simm.s32 $0x1C01;
	s3 =	sshrl.u32 s3, $0x3;
	s29 =	sshll.u32 s0, $0x13  }
0xb: {  	[dreg:$0x8] =	wrdreg s0;
	s12 =	sor.u32 $0x10000, s29;
	s26 =	sadd.s32 s31, s29  }
0xc: {  	s4 =	sshrl.u32 s4, $0x3;
	s25 =	sadd.s32 s28, s12;
	[dreg:$0x7] =	wrdreg s26  }
0xd: {  	s5 =	simm.s32 $0x1C02;
	s1 =	sadd.s32 s28, s29;
	[dreg:$0x6] =	wrdreg s25  }
0xe: {  	[spmem:s3], [sflag:s2] =	dma.local [hbm:s1], $0x10000  }
0xf: {  	s6 =	simm.s32 $0x1;
	s8 =	simm.s32 $0x1C04;
	s7 =	rddreg [dreg:$0x6]  }
0x10: {  	[spmem:s4], [sflag:s5] =	dma.local [hbm:s7], $0x10000  }
0x11: {  	s9 =	sshrl.u32 s9, $0x3;
	s10 =	simm.s32 $0x1C03;
	_ =	swait.ge [sflag:s6], $0x10000  }
0x12: {  	s11 =	simm.s32 $0x2;
	s17 =	sor.u32 $0x20000, s29;
	[sflag:s6] =	ssyncset.done $0x0  }
0x13: {  	s7 =	sadd.s32 s28, s17;
	s13 =	rddreg [dreg:$0x7];
	[sflag:s6] =	ssyncadd.s32 $0xFFFF0000  }
0x14: {  	[hbm:s13], [sflag:s8] =	dma.local [spmem:s3], $0x10000  }
0x15: {  	[spmem:s9], [sflag:s10] =	dma.local [hbm:s7], $0x10000  }
0x16: {  	_ =	swait.ge [sflag:s11], $0x10000  }
0x17: {  	s14 =	simm.s32 $0x4;
	[sflag:s11] =	ssyncset.done $0x0  }
0x18: {  	s12 =	sadd.s32 s31, s12;
	s13 =	simm.s32 $0x1C05;
	[sflag:s11] =	ssyncadd.s32 $0xFFFF0000  }
0x19: {  	[hbm:s12], [sflag:s13] =	dma.local [spmem:s4], $0x10000  }
0x1a: {  	_ =	swait.ge [sflag:s14], $0x10000  }
0x1b: {  	s21 =	sor.u32 $0x30000, s29;
	[sflag:s14] =	ssyncset.done $0x0  }
0x1c: {  	s16 =	simm.s32 $0x3;
	s15 =	sadd.s32 s28, s21;
	[sflag:s14] =	ssyncadd.s32 $0xFFFF0000  }
0x1d: {  	[spmem:s3], [sflag:s2] =	dma.local [hbm:s15], $0x10000  }
0x1e: {  	_ =	swait.ge [sflag:s16], $0x10000  }
0x1f: {  	s19 =	simm.s32 $0x1C06;
	[sflag:s16] =	ssyncset.done $0x0  }
0x20: {  	s18 =	simm.s32 $0x5;
	s17 =	sadd.s32 s31, s17;
	[sflag:s16] =	ssyncadd.s32 $0xFFFF0000  }
0x21: {  	[hbm:s17], [sflag:s19] =	dma.local [spmem:s9], $0x10000  }
0x22: {  	_ =	swait.ge [sflag:s18], $0x10000  }
0x23: {  	s24 =	sor.u32 $0x40000, s29;
	[sflag:s18] =	ssyncset.done $0x0  }
0x24: {  	s20 =	sadd.s32 s28, s24;
	[sflag:s18] =	ssyncadd.s32 $0xFFFF0000  }
0x25: {  	[spmem:s4], [sflag:s5] =	dma.local [hbm:s20], $0x10000  }
0x26: {  	_ =	swait.ge [sflag:s6], $0x10000  }
0x27: {  	[sflag:s6] =	ssyncset.done $0x0  }
0x28: {  	s22 =	simm.s32 $0x6;
	s21 =	sadd.s32 s31, s21;
	[sflag:s6] =	ssyncadd.s32 $0xFFFF0000  }
0x29: {  	[hbm:s21], [sflag:s8] =	dma.local [spmem:s3], $0x10000  }
0x2a: {  	_ =	swait.ge [sflag:s22], $0x10000  }
0x2b: {  	s26 =	sor.u32 $0x50000, s29;
	[sflag:s22] =	ssyncset.done $0x0  }
0x2c: {  	s23 =	sadd.s32 s28, s26;
	[sflag:s22] =	ssyncadd.s32 $0xFFFF0000  }
0x2d: {  	[spmem:s9], [sflag:s10] =	dma.local [hbm:s23], $0x10000  }
0x2e: {  	_ =	swait.ge [sflag:s11], $0x10000  }
0x2f: {  	[sflag:s11] =	ssyncset.done $0x0  }
0x30: {  	s24 =	sadd.s32 s31, s24;
	[sflag:s11] =	ssyncadd.s32 $0xFFFF0000  }
0x31: {  	[hbm:s24], [sflag:s13] =	dma.local [spmem:s4], $0x10000  }
0x32: {  	_ =	swait.ge [sflag:s14], $0x10000  }
0x33: {  	s0 =	sor.u32 $0x60000, s29;
	[sflag:s14] =	ssyncset.done $0x0  }
0x34: {  	s25 =	sadd.s32 s28, s0;
	[sflag:s14] =	ssyncadd.s32 $0xFFFF0000  }
0x35: {  	[spmem:s3], [sflag:s2] =	dma.local [hbm:s25], $0x10000  }
0x36: {  	_ =	swait.ge [sflag:s16], $0x10000  }
0x37: {  	[sflag:s16] =	ssyncset.done $0x0  }
0x38: {  	s26 =	sadd.s32 s31, s26;
	[sflag:s16] =	ssyncadd.s32 $0xFFFF0000  }
0x39: {  	[hbm:s26], [sflag:s19] =	dma.local [spmem:s9], $0x10000  }
0x3a: {  	_ =	swait.ge [sflag:s18], $0x10000  }
0x3b: {  	s30 =	sor.u32 $0x70000, s29;
	[sflag:s18] =	ssyncset.done $0x0  }
0x3c: {  	s28 =	sadd.s32 s28, s30;
	[sflag:s18] =	ssyncadd.s32 $0xFFFF0000  }
0x3d: {  	[spmem:s4], [sflag:s5] =	dma.local [hbm:s28], $0x10000  }
0x3e: {  	_ =	swait.ge [sflag:s6], $0x10000  }
0x3f: {  	[sflag:s6] =	ssyncset.done $0x0  }
0x40: {  	s29 =	sadd.s32 s31, s0;
	[sflag:s6] =	ssyncadd.s32 $0xFFFF0000  }
0x41: {  	[hbm:s29], [sflag:s8] =	dma.local [spmem:s3], $0x10000  }
0x42: {  	_ =	swait.ge [sflag:s11], $0x10000  }
0x43: {  	[sflag:s11] =	ssyncset.done $0x0  }
0x44: {  	s30 =	sadd.s32 s31, s30;
	[sflag:s11] =	ssyncadd.s32 $0xFFFF0000  }
0x45: {  	[hbm:s30], [sflag:s13] =	dma.local [spmem:s4], $0x10000  }
0x46: {  	_ =	swait.ge [sflag:s22], $0x10000  }
0x47: {  	s0 =	rddreg [dreg:$0x8]  }
0x48: {  	s0 =	ssub.s32 $0x2, s0  }
0x49: {  	s31 =	sshrl.u32 s0, $0x1  }
0x4a: {  	s0 =	ssub.s32 s0, s31  }
0x4b: {  	[sflag:s22] =	ssyncset.done $0x0;
	s0 =	smax.u32 s0, $0x1  }
0x4c: {  	[sflag:s22] =	ssyncadd.s32 $0xFFFF0000;
	p1 =	sne.s32 s0, $0x1  }
.Ltmp1:
0x4d: {  	_ =	swait.ge [sflag:s14], $0x10000;
	(pc) =	sbr.rel @!p1 .LBB2_3-.Ltmp1, $4  }
0x4e: {  	[sflag:s14] =	ssyncset.done $0x0  }
0x4f: {  	[sflag:s14] =	ssyncadd.s32 $0xFFFF0000  }
0x50: {  	_ =	swait.ge [sflag:s18], $0x10000  }
0x51: {  	s31 =	sadd.s32 $0xFFFFFFFF, s0;
	[sflag:s18] =	ssyncset.done $0x0  }
.LBB2_2:
0x52: {  	[sflag:s18] =	ssyncadd.s32 $0xFFFF0000  }
0x53: {  	[spmem:s3], [sflag:s2] =	dma.local [hbm:s1], $0x10000  }
0x54: {  	s0 =	rddreg [dreg:$0x6]  }
0x55: {  	[spmem:s4], [sflag:s5] =	dma.local [hbm:s0], $0x10000  }
0x56: {  	_ =	swait.ge [sflag:s6], $0x10000  }
0x57: {  	[sflag:s6] =	ssyncset.done $0x0  }
0x58: {  	s0 =	rddreg [dreg:$0x7];
	[sflag:s6] =	ssyncadd.s32 $0xFFFF0000  }
0x59: {  	[hbm:s0], [sflag:s8] =	dma.local [spmem:s3], $0x10000  }
0x5a: {  	[spmem:s9], [sflag:s10] =	dma.local [hbm:s7], $0x10000  }
0x5b: {  	_ =	swait.ge [sflag:s11], $0x10000  }
0x5c: {  	[sflag:s11] =	ssyncset.done $0x0  }
0x5d: {  	[sflag:s11] =	ssyncadd.s32 $0xFFFF0000  }
0x5e: {  	[hbm:s12], [sflag:s13] =	dma.local [spmem:s4], $0x10000  }
0x5f: {  	_ =	swait.ge [sflag:s14], $0x10000  }
0x60: {  	[sflag:s14] =	ssyncset.done $0x0  }
0x61: {  	[sflag:s14] =	ssyncadd.s32 $0xFFFF0000  }
0x62: {  	[spmem:s3], [sflag:s2] =	dma.local [hbm:s15], $0x10000  }
0x63: {  	_ =	swait.ge [sflag:s16], $0x10000  }
0x64: {  	[sflag:s16] =	ssyncset.done $0x0  }
0x65: {  	[sflag:s16] =	ssyncadd.s32 $0xFFFF0000  }
0x66: {  	[hbm:s17], [sflag:s19] =	dma.local [spmem:s9], $0x10000  }
0x67: {  	_ =	swait.ge [sflag:s18], $0x10000  }
0x68: {  	[sflag:s18] =	ssyncset.done $0x0  }
0x69: {  	[sflag:s18] =	ssyncadd.s32 $0xFFFF0000  }
0x6a: {  	[spmem:s4], [sflag:s5] =	dma.local [hbm:s20], $0x10000  }
0x6b: {  	_ =	swait.ge [sflag:s6], $0x10000  }
0x6c: {  	[sflag:s6] =	ssyncset.done $0x0  }
0x6d: {  	[sflag:s6] =	ssyncadd.s32 $0xFFFF0000  }
0x6e: {  	[hbm:s21], [sflag:s8] =	dma.local [spmem:s3], $0x10000  }
0x6f: {  	_ =	swait.ge [sflag:s22], $0x10000  }
0x70: {  	[sflag:s22] =	ssyncset.done $0x0  }
0x71: {  	[sflag:s22] =	ssyncadd.s32 $0xFFFF0000  }
0x72: {  	[spmem:s9], [sflag:s10] =	dma.local [hbm:s23], $0x10000  }
0x73: {  	_ =	swait.ge [sflag:s11], $0x10000  }
0x74: {  	[sflag:s11] =	ssyncset.done $0x0  }
0x75: {  	[sflag:s11] =	ssyncadd.s32 $0xFFFF0000  }
0x76: {  	[hbm:s24], [sflag:s13] =	dma.local [spmem:s4], $0x10000  }
0x77: {  	_ =	swait.ge [sflag:s14], $0x10000  }
0x78: {  	[sflag:s14] =	ssyncset.done $0x0  }
0x79: {  	[sflag:s14] =	ssyncadd.s32 $0xFFFF0000  }
0x7a: {  	[spmem:s3], [sflag:s2] =	dma.local [hbm:s25], $0x10000  }
0x7b: {  	_ =	swait.ge [sflag:s16], $0x10000  }
0x7c: {  	[sflag:s16] =	ssyncset.done $0x0  }
0x7d: {  	[sflag:s16] =	ssyncadd.s32 $0xFFFF0000  }
0x7e: {  	[hbm:s26], [sflag:s19] =	dma.local [spmem:s9], $0x10000  }
0x7f: {  	_ =	swait.ge [sflag:s18], $0x10000  }
0x80: {  	[sflag:s18] =	ssyncset.done $0x0  }
0x81: {  	[sflag:s18] =	ssyncadd.s32 $0xFFFF0000  }
0x82: {  	[spmem:s4], [sflag:s5] =	dma.local [hbm:s28], $0x10000  }
0x83: {  	_ =	swait.ge [sflag:s6], $0x10000  }
0x84: {  	[sflag:s6] =	ssyncset.done $0x0  }
0x85: {  	[sflag:s6] =	ssyncadd.s32 $0xFFFF0000  }
0x86: {  	[hbm:s29], [sflag:s8] =	dma.local [spmem:s3], $0x10000  }
0x87: {  	_ =	swait.ge [sflag:s11], $0x10000  }
0x88: {  	[sflag:s11] =	ssyncset.done $0x0  }
0x89: {  	[sflag:s11] =	ssyncadd.s32 $0xFFFF0000  }
0x8a: {  	[hbm:s30], [sflag:s13] =	dma.local [spmem:s4], $0x10000  }
0x8b: {  	_ =	swait.ge [sflag:s22], $0x10000  }
0x8c: {  	[sflag:s22] =	ssyncset.done $0x0  }
0x8d: {  	p1 =	sne.s32 s31, $0x1;
	[sflag:s22] =	ssyncadd.s32 $0xFFFF0000  }
.Ltmp2:
0x8e: {  	_ =	swait.ge [sflag:s14], $0x10000;
	(pc) =	sbr.rel @p1 .LBB2_2-.Ltmp2, $4  }
0x8f: {  	[sflag:s14] =	ssyncset.done $0x0  }
0x90: {  	[sflag:s14] =	ssyncadd.s32 $0xFFFF0000  }
0x91: {  	_ =	swait.ge [sflag:s18], $0x10000  }
0x92: {  	s31 =	sadd.s32 $0xFFFFFFFF, s31;
	[sflag:s18] =	ssyncset.done $0x0  }
.LBB2_3:
0x93: {  	[sflag:s18] =	ssyncadd.s32 $0xFFFF0000  }
0x94: {  	s0 =	rddreg [dreg:$0x5]  }
.LBB2_4:
0x95: {  	_ =	sfence.sel $0x180000  }
0x96: {  	[bflag:$0x0] =	sbarrier.arrive $0xFFFF  }
0x97: {  	_ =	strace $0x90000047  }
0x98: {  	s0 =	sadd.s32 @!p0 $0x100000, s0;
	[bflag:$0x2] =	sbarrier.arrive $0xFFFF  }
0x99: {  	[sflag:s0] =	ssyncadd.tile.s32 @!p0 $0x1;
	_ =	shalt  }
.Lfunc_end2:
_tile_overlayer_lowered:
.L_overlay_start_2:
0x9a: {  	(tag) =	ssettag $0x2  }
0x9b: {  	s0 =	rddreg [dreg:$0x0];
	s2 =	stileid.u32  }
0x9c: {  	s1 =	rddreg [dreg:$0x1];
	p0 =	sne.s32 s2, $0x0  }
0x9d: {  	s3 =	rddreg [dreg:$0x2];
	[bflag:$0x3] =	sbarrier.arrive $0xFFFF;
	s2 =	simm.s32 @!p0 $0x1C07  }
0x9e: {  	[timem:s3], [sflag:s2] =	dma.local @!p0 [hbm:s0], s1  }
0x9f: {  	s0 =	simm.s32 @!p0 $0x7  }
0xa0: {  	_ =	swait.ge @!p0 [sflag:s0], s1  }
0xa1: {  	s1 =	ssub.s32 @!p0 $0x0, s1;
	[sflag:s0] =	ssyncset.done @!p0 $0x0  }
0xa2: {  	[sflag:s0] =	ssyncadd.s32 @!p0 s1  }
0xa3: {  	[bflag:$0x3] =	sbarrier.arrive $0xFFFF  }
0xa4: {  	_ =	shalt  }

</sc_bundles>
